<compile_context>
chip_gen: v7x
topology: tpu7x:2x2x1
jax: 0.10.2.dev20260603
libtpu: 0.0.44.dev20260713+nightly
codegen_flags: <defaults>
</compile_context>

<pallas_src>
import functools

import jax
import jax.numpy as jnp
from jax import lax
from jax.experimental import pallas as pl
from jax.experimental.pallas import tpu as pltpu
from jax.experimental.pallas import tpu_sc as plsc

DIM = 128
_NC, _NS = 2, 16
_NW = _NC * _NS
_TAIL = 8


def out_slice(out, r, c0, n):
    return out.at[r, 0, pl.ds(c0, n)]


@functools.lru_cache(maxsize=None)
def _build_sc_gather(b: int, s: int):
    n_rows = b * s
    assert n_rows % (8 * _NW) == 0
    b_per_w = n_rows // _NW
    w_per_row = s // b_per_w
    mesh = plsc.VectorSubcoreMesh(core_axis_name="c", subcore_axis_name="s")

    @functools.partial(
        pl.kernel,
        mesh=mesh,
        out_type=[
            jax.ShapeDtypeStruct((b, 1, s, DIM), jnp.float32),
            jax.ShapeDtypeStruct((b, 1, s, DIM), jnp.float32),
        ],
        scratch_types=[
            pltpu.VMEM((b_per_w,), jnp.int32),
            pltpu.VMEM((b_per_w, DIM), jnp.float32),
            pltpu.VMEM((b_per_w - _TAIL, DIM), jnp.float32),
            pltpu.SemaphoreType.DMA,
            pltpu.SemaphoreType.DMA,
            pltpu.SemaphoreType.DMA,
        ],
    )
    def sc_gather(pos_hbm, cos_hbm, sin_hbm, cos_out, sin_out,
                  idx_v, cos_v, sin_v, sem_c, sem_s, sem_w):
        wid = lax.axis_index("s") * _NC + lax.axis_index("c")
        r = wid // w_per_row
        c0 = (wid % w_per_row) * b_per_w
        head = b_per_w - _TAIL
        pltpu.sync_copy(pos_hbm.at[r, pl.ds(c0, b_per_w)], idx_v)
        g_c = pltpu.async_copy(cos_hbm.at[idx_v], cos_v, sem_c)
        g_s = pltpu.async_copy(sin_hbm.at[idx_v.at[pl.ds(0, head)]],
                               sin_v, sem_s)
        g_c.wait()
        w_c = pltpu.async_copy(cos_v, out_slice(cos_out, r, c0, b_per_w),
                               sem_w)
        g_s.wait()
        w_s = pltpu.async_copy(sin_v, out_slice(sin_out, r, c0, head), sem_w)
        w_c.wait()
        g_t = pltpu.async_copy(sin_hbm.at[idx_v.at[pl.ds(head, _TAIL)]],
                               cos_v.at[pl.ds(0, _TAIL)], sem_s)
        g_t.wait()
        w_t = pltpu.async_copy(cos_v.at[pl.ds(0, _TAIL)],
                               out_slice(sin_out, r, c0 + head, _TAIL),
                               sem_w)
        w_s.wait()
        w_t.wait()

    return sc_gather


def kernel(x, position_ids, cos_cached, sin_cached):
    b, s = position_ids.shape
    cos4, sin4 = _build_sc_gather(b, s)(
        position_ids.astype(jnp.int32),
        cos_cached.astype(jnp.float32), sin_cached.astype(jnp.float32))
    return cos4.astype(x.dtype), sin4.astype(x.dtype)

# --- scband reference (transcript-rebuilt; emitter-appended) ---
"""Pipeline reference for scband-rotary-embedding-3032246911341 (READ-ONLY COPY).

The authoritative reference and input builder live on the scoring server;
editing this copy changes nothing except your own understanding.
"""

import jax, jax.numpy as jnp
import numpy as np

DIM = 128
MAX_POS = 32768
BASE = 1000000.0
B, H, S = 4, 32, 4096


def _build_caches():
    inv_freq = 1.0 / (BASE ** (jnp.arange(0, DIM, 2, dtype=jnp.float32) / DIM))
    t = jnp.arange(MAX_POS, dtype=jnp.float32)
    freqs = jnp.outer(t, inv_freq)
    emb = jnp.concatenate((freqs, freqs), axis=-1)
    return jnp.cos(emb), jnp.sin(emb)


def setup_inputs(seed: int = 0) -> dict:
    key = jax.random.key(seed)
    k1, k2 = jax.random.split(key)
    x = jax.random.normal(k1, (B, H, S, DIM), dtype=jnp.float32)
    position_ids = jax.random.randint(k2, (B, S), 0, MAX_POS, dtype=jnp.int64 if jax.config.jax_enable_x64 else jnp.int32)
    cos_cached, sin_cached = _build_caches()
    return {"x": x, "position_ids": position_ids, "cos_cached": cos_cached, "sin_cached": sin_cached}


def reference(x, position_ids, cos_cached, sin_cached):
    # cos_cached[position_ids] -> [B, S, dim]; unsqueeze head dim -> [B, 1, S, dim]
    cos = jnp.take(cos_cached, position_ids, axis=0)[:, None, :, :]
    sin = jnp.take(sin_cached, position_ids, axis=0)[:, None, :, :]
    return (cos.astype(x.dtype), sin.astype(x.dtype))

if __name__ == "__main__":
    import jax
    _d = setup_inputs()
    print(jax.jit(kernel)(*tuple(_d.values())))

</pallas_src>

<mosaic_0001>
#map = affine_map<(d0, d1) -> (0, 0)>
#map1 = affine_map<(d0, d1) -> (0, 0, 0, 0)>
module attributes {stable_mosaic.version = 14 : i64} {
  func.func @sc_gather(%arg0: i32, %arg1: i32, %arg2: memref<4x4096xi32, #tpu.memory_space<hbm>>, %arg3: memref<32768x128xf32, #tpu.memory_space<hbm>>, %arg4: memref<32768x128xf32, #tpu.memory_space<hbm>>, %arg5: memref<4x1x4096x128xf32, #tpu.memory_space<hbm>>, %arg6: memref<4x1x4096x128xf32, #tpu.memory_space<hbm>>, %arg7: memref<512xi32, #tpu.memory_space<vmem>>, %arg8: memref<512x128xf32, #tpu.memory_space<vmem>>, %arg9: memref<504x128xf32, #tpu.memory_space<vmem>>, %arg10: memref<!tpu.dma_semaphore, #tpu.memory_space<semaphore_mem>>, %arg11: memref<!tpu.dma_semaphore, #tpu.memory_space<semaphore_mem>>, %arg12: memref<!tpu.dma_semaphore, #tpu.memory_space<semaphore_mem>>) attributes {dimension_semantics = [#tpu.dimension_semantics<core_parallel>, #tpu.dimension_semantics<subcore_parallel>], iteration_bounds = array<i64: 2, 16>, scalar_prefetch = 0 : i64, scratch_operands = 6 : i64, tpu.core_type = #tpu.core_type<sc_vector_subcore>, window_params = [{transform_indices = #map}, {transform_indices = #map}, {transform_indices = #map}, {transform_indices = #map1}, {transform_indices = #map1}]} {
    %mul3A = arith.constant 2 : i32
    %mul3A_0 = arith.muli %arg1, %mul3A : i32
    %add3A = arith.addi %mul3A_0, %arg0 : i32
    %jit3A = arith.constant 8 : i32
    %div3A = arith.divsi %add3A, %jit3A : i32
    %sign3A = arith.constant 0 : i32
    %sign3A_1 = arith.cmpi sgt, %add3A, %sign3A : i32
    %sign3A_2 = arith.extui %sign3A_1 : i1 to i32
    %sign3A_3 = arith.constant 0 : i32
    %sign3A_4 = arith.cmpi slt, %add3A, %sign3A_3 : i32
    %sign3A_5 = arith.extui %sign3A_4 : i1 to i32
    %sign3A_6 = arith.subi %sign3A_2, %sign3A_5 : i32
    %sign3A_7 = arith.constant 0 : i32
    %sign3A_8 = arith.cmpi sgt, %jit3A, %sign3A_7 : i32
    %sign3A_9 = arith.extui %sign3A_8 : i1 to i32
    %sign3A_10 = arith.constant 0 : i32
    %sign3A_11 = arith.cmpi slt, %jit3A, %sign3A_10 : i32
    %sign3A_12 = arith.extui %sign3A_11 : i1 to i32
    %sign3A_13 = arith.subi %sign3A_9, %sign3A_12 : i32
    %ne3A = arith.cmpi ne, %sign3A_6, %sign3A_13 : i32
    %rem3A = arith.remsi %add3A, %jit3A : i32
    %ne3A_14 = arith.constant 0 : i32
    %ne3A_15 = arith.cmpi ne, %rem3A, %ne3A_14 : i32
    %and3A = arith.andi %ne3A, %ne3A_15 : i1
    %sub3A = arith.constant 1 : i32
    %sub3A_16 = arith.subi %div3A, %sub3A : i32
    %select_n3A = arith.select %and3A, %sub3A_16, %div3A : i32
    %jit3A_17 = arith.constant 8 : i32
    %eq3A = arith.constant 0 : i32
    %eq3A_18 = arith.cmpi eq, %jit3A_17, %eq3A : i32
    %jit3A_19 = arith.constant 1 : i32
    %select_n3A_20 = arith.select %eq3A_18, %jit3A_19, %jit3A_17 : i32
    %rem3A_21 = arith.remsi %add3A, %select_n3A_20 : i32
    %ne3A_22 = arith.constant 0 : i32
    %ne3A_23 = arith.cmpi ne, %rem3A_21, %ne3A_22 : i32
    %lt3A = arith.constant 0 : i32
    %lt3A_24 = arith.cmpi slt, %rem3A_21, %lt3A : i32
    %lt3A_25 = arith.constant 0 : i32
    %lt3A_26 = arith.cmpi slt, %select_n3A_20, %lt3A_25 : i32
    %ne3A_27 = arith.xori %lt3A_24, %lt3A_26 : i1
    %and3A_28 = arith.andi %ne3A_27, %ne3A_23 : i1
    %add3A_29 = arith.addi %rem3A_21, %select_n3A_20 : i32
    %select_n3A_30 = arith.select %and3A_28, %add3A_29, %rem3A_21 : i32
    %mul3A_31 = arith.constant 512 : i32
    %mul3A_32 = arith.muli %select_n3A_30, %mul3A_31 : i32
    "tpu.region"() ({
      %run_scoped3A = tpu.sem_alloc : memref<!tpu.dma_semaphore, #tpu.memory_space<semaphore_mem>>
      %dma_start3A_119 = tpu.memref_slice %arg2[%select_n3A, %mul3A_32] : memref<4x4096xi32, #tpu.memory_space<hbm>> -> memref<1x512xi32, #tpu.memory_space<hbm>>
      %dma_start3A_120 = tpu.memref_squeeze %dma_start3A_119 : memref<1x512xi32, #tpu.memory_space<hbm>> -> memref<512xi32, #tpu.memory_space<hbm>>
      %dma_start3A_121 = tpu.memref_slice %arg2[%select_n3A, %mul3A_32] : memref<4x4096xi32, #tpu.memory_space<hbm>> -> memref<1x512xi32, #tpu.memory_space<hbm>>
      %dma_start3A_122 = tpu.memref_squeeze %dma_start3A_121 : memref<1x512xi32, #tpu.memory_space<hbm>> -> memref<512xi32, #tpu.memory_space<hbm>>
      tpu.enqueue_dma source(%dma_start3A_122 : memref<512xi32, #tpu.memory_space<hbm>>) target(%arg7 : memref<512xi32, #tpu.memory_space<vmem>>) target_semaphore(%run_scoped3A : memref<!tpu.dma_semaphore, #tpu.memory_space<semaphore_mem>>)
      %dma_wait3A_123 = tpu.memref_slice %arg2[%select_n3A, %mul3A_32] : memref<4x4096xi32, #tpu.memory_space<hbm>> -> memref<1x512xi32, #tpu.memory_space<hbm>>
      %dma_wait3A_124 = tpu.memref_squeeze %dma_wait3A_123 : memref<1x512xi32, #tpu.memory_space<hbm>> -> memref<512xi32, #tpu.memory_space<hbm>>
      %dma_wait3A_125 = tpu.memref_slice %arg2[%select_n3A, %mul3A_32] : memref<4x4096xi32, #tpu.memory_space<hbm>> -> memref<1x512xi32, #tpu.memory_space<hbm>>
      %dma_wait3A_126 = tpu.memref_squeeze %dma_wait3A_125 : memref<1x512xi32, #tpu.memory_space<hbm>> -> memref<512xi32, #tpu.memory_space<hbm>>
      tpu.wait_dma2 semaphore(%run_scoped3A : memref<!tpu.dma_semaphore, #tpu.memory_space<semaphore_mem>>) src(%dma_wait3A_126 : memref<512xi32, #tpu.memory_space<hbm>>) dst(%arg7 : memref<512xi32, #tpu.memory_space<vmem>>)
      tpu.yield
    }) : () -> ()
    %dma_start3A = arith.constant 0 : i32
    %dma_start3A_33 = arith.constant 0 : i32
    %dma_start3A_34 = tpu.memref_slice %arg3[%dma_start3A, %dma_start3A_33] : memref<32768x128xf32, #tpu.memory_space<hbm>> -> memref<32768x128xf32, #tpu.memory_space<hbm>>
    tpu.enqueue_indirect_dma source(%dma_start3A_34 : memref<32768x128xf32, #tpu.memory_space<hbm>>) target(%arg8 : memref<512x128xf32, #tpu.memory_space<vmem>>) offsets(%arg7 : memref<512xi32, #tpu.memory_space<vmem>>) semaphore(%arg10 : memref<!tpu.dma_semaphore, #tpu.memory_space<semaphore_mem>>)
    %dma_start3A_35 = arith.constant 0 : i32
    %dma_start3A_36 = tpu.memref_slice %arg7[%dma_start3A_35] : memref<512xi32, #tpu.memory_space<vmem>> -> memref<504xi32, #tpu.memory_space<vmem>>
    %dma_start3A_37 = arith.constant 0 : i32
    %dma_start3A_38 = arith.constant 0 : i32
    %dma_start3A_39 = tpu.memref_slice %arg4[%dma_start3A_37, %dma_start3A_38] : memref<32768x128xf32, #tpu.memory_space<hbm>> -> memref<32768x128xf32, #tpu.memory_space<hbm>>
    tpu.enqueue_indirect_dma source(%dma_start3A_39 : memref<32768x128xf32, #tpu.memory_space<hbm>>) target(%arg9 : memref<504x128xf32, #tpu.memory_space<vmem>>) offsets(%dma_start3A_36 : memref<504xi32, #tpu.memory_space<vmem>>) semaphore(%arg11 : memref<!tpu.dma_semaphore, #tpu.memory_space<semaphore_mem>>)
    %dma_wait3A = arith.constant 0 : i32
    %dma_wait3A_40 = arith.constant 0 : i32
    %dma_wait3A_41 = tpu.memref_slice %arg3[%dma_wait3A, %dma_wait3A_40] : memref<32768x128xf32, #tpu.memory_space<hbm>> -> memref<32768x128xf32, #tpu.memory_space<hbm>>
    tpu.wait_indirect_dma semaphore(%arg10 : memref<!tpu.dma_semaphore, #tpu.memory_space<semaphore_mem>>) src(%dma_wait3A_41 : memref<32768x128xf32, #tpu.memory_space<hbm>>) dst(%arg8 : memref<512x128xf32, #tpu.memory_space<vmem>>)
    %dma_start3A_42 = arith.constant 0 : i32
    %dma_start3A_43 = arith.constant 0 : i32
    %dma_start3A_44 = tpu.memref_slice %arg5[%select_n3A, %dma_start3A_42, %mul3A_32, %dma_start3A_43] : memref<4x1x4096x128xf32, #tpu.memory_space<hbm>> -> memref<1x1x512x128xf32, #tpu.memory_space<hbm>>
    %dma_start3A_45 = tpu.memref_squeeze %dma_start3A_44 : memref<1x1x512x128xf32, #tpu.memory_space<hbm>> -> memref<512x128xf32, #tpu.memory_space<hbm>>
    %dma_start3A_46 = arith.constant 0 : i32
    %dma_start3A_47 = tpu.memref_slice %arg5[%select_n3A, %dma_start3A_42, %mul3A_32, %dma_start3A_46] : memref<4x1x4096x128xf32, #tpu.memory_space<hbm>> -> memref<1x1x512x128xf32, #tpu.memory_space<hbm>>
    %dma_start3A_48 = tpu.memref_squeeze %dma_start3A_47 : memref<1x1x512x128xf32, #tpu.memory_space<hbm>> -> memref<512x128xf32, #tpu.memory_space<hbm>>
    tpu.enqueue_dma source(%arg8 : memref<512x128xf32, #tpu.memory_space<vmem>>) target(%dma_start3A_48 : memref<512x128xf32, #tpu.memory_space<hbm>>) target_semaphore(%arg12 : memref<!tpu.dma_semaphore, #tpu.memory_space<semaphore_mem>>)
    %dma_wait3A_49 = arith.constant 0 : i32
    %dma_wait3A_50 = tpu.memref_slice %arg7[%dma_wait3A_49] : memref<512xi32, #tpu.memory_space<vmem>> -> memref<504xi32, #tpu.memory_space<vmem>>
    %dma_wait3A_51 = arith.constant 0 : i32
    %dma_wait3A_52 = arith.constant 0 : i32
    %dma_wait3A_53 = tpu.memref_slice %arg4[%dma_wait3A_51, %dma_wait3A_52] : memref<32768x128xf32, #tpu.memory_space<hbm>> -> memref<32768x128xf32, #tpu.memory_space<hbm>>
    tpu.wait_indirect_dma semaphore(%arg11 : memref<!tpu.dma_semaphore, #tpu.memory_space<semaphore_mem>>) src(%dma_wait3A_53 : memref<32768x128xf32, #tpu.memory_space<hbm>>) dst(%arg9 : memref<504x128xf32, #tpu.memory_space<vmem>>)
    %dma_start3A_54 = arith.constant 0 : i32
    %dma_start3A_55 = arith.constant 0 : i32
    %dma_start3A_56 = tpu.memref_slice %arg6[%select_n3A, %dma_start3A_54, %mul3A_32, %dma_start3A_55] : memref<4x1x4096x128xf32, #tpu.memory_space<hbm>> -> memref<1x1x504x128xf32, #tpu.memory_space<hbm>>
    %dma_start3A_57 = tpu.memref_squeeze %dma_start3A_56 : memref<1x1x504x128xf32, #tpu.memory_space<hbm>> -> memref<504x128xf32, #tpu.memory_space<hbm>>
    %dma_start3A_58 = arith.constant 0 : i32
    %dma_start3A_59 = tpu.memref_slice %arg6[%select_n3A, %dma_start3A_54, %mul3A_32, %dma_start3A_58] : memref<4x1x4096x128xf32, #tpu.memory_space<hbm>> -> memref<1x1x504x128xf32, #tpu.memory_space<hbm>>
    %dma_start3A_60 = tpu.memref_squeeze %dma_start3A_59 : memref<1x1x504x128xf32, #tpu.memory_space<hbm>> -> memref<504x128xf32, #tpu.memory_space<hbm>>
    tpu.enqueue_dma source(%arg9 : memref<504x128xf32, #tpu.memory_space<vmem>>) target(%dma_start3A_60 : memref<504x128xf32, #tpu.memory_space<hbm>>) target_semaphore(%arg12 : memref<!tpu.dma_semaphore, #tpu.memory_space<semaphore_mem>>)
    %dma_wait3A_61 = arith.constant 0 : i32
    %dma_wait3A_62 = arith.constant 0 : i32
    %dma_wait3A_63 = tpu.memref_slice %arg5[%select_n3A, %dma_wait3A_61, %mul3A_32, %dma_wait3A_62] : memref<4x1x4096x128xf32, #tpu.memory_space<hbm>> -> memref<1x1x512x128xf32, #tpu.memory_space<hbm>>
    %dma_wait3A_64 = tpu.memref_squeeze %dma_wait3A_63 : memref<1x1x512x128xf32, #tpu.memory_space<hbm>> -> memref<512x128xf32, #tpu.memory_space<hbm>>
    %dma_wait3A_65 = arith.constant 0 : i32
    %dma_wait3A_66 = tpu.memref_slice %arg5[%select_n3A, %dma_wait3A_61, %mul3A_32, %dma_wait3A_65] : memref<4x1x4096x128xf32, #tpu.memory_space<hbm>> -> memref<1x1x512x128xf32, #tpu.memory_space<hbm>>
    %dma_wait3A_67 = tpu.memref_squeeze %dma_wait3A_66 : memref<1x1x512x128xf32, #tpu.memory_space<hbm>> -> memref<512x128xf32, #tpu.memory_space<hbm>>
    tpu.wait_dma2 semaphore(%arg12 : memref<!tpu.dma_semaphore, #tpu.memory_space<semaphore_mem>>) src(%arg8 : memref<512x128xf32, #tpu.memory_space<vmem>>) dst(%dma_wait3A_67 : memref<512x128xf32, #tpu.memory_space<hbm>>)
    %dma_start3A_68 = arith.constant 0 : i32
    %dma_start3A_69 = arith.constant 0 : i32
    %dma_start3A_70 = tpu.memref_slice %arg8[%dma_start3A_68, %dma_start3A_69] : memref<512x128xf32, #tpu.memory_space<vmem>> -> memref<8x128xf32, #tpu.memory_space<vmem>>
    %dma_start3A_71 = arith.constant 504 : i32
    %dma_start3A_72 = tpu.memref_slice %arg7[%dma_start3A_71] : memref<512xi32, #tpu.memory_space<vmem>> -> memref<8xi32, #tpu.memory_space<vmem>>
    %dma_start3A_73 = arith.constant 0 : i32
    %dma_start3A_74 = arith.constant 0 : i32
    %dma_start3A_75 = tpu.memref_slice %arg4[%dma_start3A_73, %dma_start3A_74] : memref<32768x128xf32, #tpu.memory_space<hbm>> -> memref<32768x128xf32, #tpu.memory_space<hbm>>
    tpu.enqueue_indirect_dma source(%dma_start3A_75 : memref<32768x128xf32, #tpu.memory_space<hbm>>) target(%dma_start3A_70 : memref<8x128xf32, #tpu.memory_space<vmem>>) offsets(%dma_start3A_72 : memref<8xi32, #tpu.memory_space<vmem>>) semaphore(%arg11 : memref<!tpu.dma_semaphore, #tpu.memory_space<semaphore_mem>>)
    %dma_wait3A_76 = arith.constant 0 : i32
    %dma_wait3A_77 = arith.constant 0 : i32
    %dma_wait3A_78 = tpu.memref_slice %arg8[%dma_wait3A_76, %dma_wait3A_77] : memref<512x128xf32, #tpu.memory_space<vmem>> -> memref<8x128xf32, #tpu.memory_space<vmem>>
    %dma_wait3A_79 = arith.constant 504 : i32
    %dma_wait3A_80 = tpu.memref_slice %arg7[%dma_wait3A_79] : memref<512xi32, #tpu.memory_space<vmem>> -> memref<8xi32, #tpu.memory_space<vmem>>
    %dma_wait3A_81 = arith.constant 0 : i32
    %dma_wait3A_82 = arith.constant 0 : i32
    %dma_wait3A_83 = tpu.memref_slice %arg4[%dma_wait3A_81, %dma_wait3A_82] : memref<32768x128xf32, #tpu.memory_space<hbm>> -> memref<32768x128xf32, #tpu.memory_space<hbm>>
    tpu.wait_indirect_dma semaphore(%arg11 : memref<!tpu.dma_semaphore, #tpu.memory_space<semaphore_mem>>) src(%dma_wait3A_83 : memref<32768x128xf32, #tpu.memory_space<hbm>>) dst(%dma_wait3A_78 : memref<8x128xf32, #tpu.memory_space<vmem>>)
    %add3A_84 = arith.constant 504 : i32
    %add3A_85 = arith.addi %mul3A_32, %add3A_84 : i32
    %dma_start3A_86 = arith.constant 0 : i32
    %dma_start3A_87 = arith.constant 0 : i32
    %dma_start3A_88 = arith.constant 0 : i32
    %dma_start3A_89 = tpu.memref_slice %arg8[%dma_start3A_87, %dma_start3A_88] : memref<512x128xf32, #tpu.memory_space<vmem>> -> memref<8x128xf32, #tpu.memory_space<vmem>>
    %dma_start3A_90 = arith.constant 0 : i32
    %dma_start3A_91 = tpu.memref_slice %arg6[%select_n3A, %dma_start3A_86, %add3A_85, %dma_start3A_90] : memref<4x1x4096x128xf32, #tpu.memory_space<hbm>> -> memref<1x1x8x128xf32, #tpu.memory_space<hbm>>
    %dma_start3A_92 = tpu.memref_squeeze %dma_start3A_91 : memref<1x1x8x128xf32, #tpu.memory_space<hbm>> -> memref<8x128xf32, #tpu.memory_space<hbm>>
    %dma_start3A_93 = arith.constant 0 : i32
    %dma_start3A_94 = tpu.memref_slice %arg6[%select_n3A, %dma_start3A_86, %add3A_85, %dma_start3A_93] : memref<4x1x4096x128xf32, #tpu.memory_space<hbm>> -> memref<1x1x8x128xf32, #tpu.memory_space<hbm>>
    %dma_start3A_95 = tpu.memref_squeeze %dma_start3A_94 : memref<1x1x8x128xf32, #tpu.memory_space<hbm>> -> memref<8x128xf32, #tpu.memory_space<hbm>>
    %dma_start3A_96 = arith.constant 0 : i32
    %dma_start3A_97 = arith.constant 0 : i32
    %dma_start3A_98 = tpu.memref_slice %arg8[%dma_start3A_96, %dma_start3A_97] : memref<512x128xf32, #tpu.memory_space<vmem>> -> memref<8x128xf32, #tpu.memory_space<vmem>>
    tpu.enqueue_dma source(%dma_start3A_98 : memref<8x128xf32, #tpu.memory_space<vmem>>) target(%dma_start3A_95 : memref<8x128xf32, #tpu.memory_space<hbm>>) target_semaphore(%arg12 : memref<!tpu.dma_semaphore, #tpu.memory_space<semaphore_mem>>)
    %dma_wait3A_99 = arith.constant 0 : i32
    %dma_wait3A_100 = arith.constant 0 : i32
    %dma_wait3A_101 = tpu.memref_slice %arg6[%select_n3A, %dma_wait3A_99, %mul3A_32, %dma_wait3A_100] : memref<4x1x4096x128xf32, #tpu.memory_space<hbm>> -> memref<1x1x504x128xf32, #tpu.memory_space<hbm>>
    %dma_wait3A_102 = tpu.memref_squeeze %dma_wait3A_101 : memref<1x1x504x128xf32, #tpu.memory_space<hbm>> -> memref<504x128xf32, #tpu.memory_space<hbm>>
    %dma_wait3A_103 = arith.constant 0 : i32
    %dma_wait3A_104 = tpu.memref_slice %arg6[%select_n3A, %dma_wait3A_99, %mul3A_32, %dma_wait3A_103] : memref<4x1x4096x128xf32, #tpu.memory_space<hbm>> -> memref<1x1x504x128xf32, #tpu.memory_space<hbm>>
    %dma_wait3A_105 = tpu.memref_squeeze %dma_wait3A_104 : memref<1x1x504x128xf32, #tpu.memory_space<hbm>> -> memref<504x128xf32, #tpu.memory_space<hbm>>
    tpu.wait_dma2 semaphore(%arg12 : memref<!tpu.dma_semaphore, #tpu.memory_space<semaphore_mem>>) src(%arg9 : memref<504x128xf32, #tpu.memory_space<vmem>>) dst(%dma_wait3A_105 : memref<504x128xf32, #tpu.memory_space<hbm>>)
    %dma_wait3A_106 = arith.constant 0 : i32
    %dma_wait3A_107 = arith.constant 0 : i32
    %dma_wait3A_108 = arith.constant 0 : i32
    %dma_wait3A_109 = tpu.memref_slice %arg8[%dma_wait3A_107, %dma_wait3A_108] : memref<512x128xf32, #tpu.memory_space<vmem>> -> memref<8x128xf32, #tpu.memory_space<vmem>>
    %dma_wait3A_110 = arith.constant 0 : i32
    %dma_wait3A_111 = tpu.memref_slice %arg6[%select_n3A, %dma_wait3A_106, %add3A_85, %dma_wait3A_110] : memref<4x1x4096x128xf32, #tpu.memory_space<hbm>> -> memref<1x1x8x128xf32, #tpu.memory_space<hbm>>
    %dma_wait3A_112 = tpu.memref_squeeze %dma_wait3A_111 : memref<1x1x8x128xf32, #tpu.memory_space<hbm>> -> memref<8x128xf32, #tpu.memory_space<hbm>>
    %dma_wait3A_113 = arith.constant 0 : i32
    %dma_wait3A_114 = tpu.memref_slice %arg6[%select_n3A, %dma_wait3A_106, %add3A_85, %dma_wait3A_113] : memref<4x1x4096x128xf32, #tpu.memory_space<hbm>> -> memref<1x1x8x128xf32, #tpu.memory_space<hbm>>
    %dma_wait3A_115 = tpu.memref_squeeze %dma_wait3A_114 : memref<1x1x8x128xf32, #tpu.memory_space<hbm>> -> memref<8x128xf32, #tpu.memory_space<hbm>>
    %dma_wait3A_116 = arith.constant 0 : i32
    %dma_wait3A_117 = arith.constant 0 : i32
    %dma_wait3A_118 = tpu.memref_slice %arg8[%dma_wait3A_116, %dma_wait3A_117] : memref<512x128xf32, #tpu.memory_space<vmem>> -> memref<8x128xf32, #tpu.memory_space<vmem>>
    tpu.wait_dma2 semaphore(%arg12 : memref<!tpu.dma_semaphore, #tpu.memory_space<semaphore_mem>>) src(%dma_wait3A_118 : memref<8x128xf32, #tpu.memory_space<vmem>>) dst(%dma_wait3A_115 : memref<8x128xf32, #tpu.memory_space<hbm>>)
    return
  }
}

</mosaic_0001>

<sc_bundles>
// kernel: kernel.3.cloned.1.call-start
scs
__scs_entry_jumppad:
0x0: {  	(pc) =	sbr.rel $0x88, $3  }
0x1: {  	(tag) =	ssettag $0x0;
	lr =	simm.s32 $0x1  }
0x2: {  	[smem:$0x3F9E] =	sst lr;
	_ =	strace $0xD0000000  }
0x3: {  	_ = 	snop  }
0x4: {  	_ = 	snop  }
0x5: {  	_ = 	snop  }
0x6: {  	_ = 	snop  }
0x7: {  	_ = 	snop  }
__scs_overlays_trampoline_lowered:
0x8: {  	[smem:$0x3FAD] =	sst s0  }
0x9: {  	[smem:$0x3FAE] =	sst s1  }
0xa: {  	[smem:$0x3FAF] =	sst s2  }
0xb: {  	[smem:$0x3FB0] =	sst s3  }
0xc: {  	[smem:$0x3FB1] =	sst s4  }
0xd: {  	[smem:$0x3FB2] =	sst s5  }
0xe: {  	[smem:$0x3FB3] =	sst s6  }
0xf: {  	[smem:$0x3FB4] =	sst s7  }
0x10: {  	[smem:$0x3FB5] =	sst s8  }
0x11: {  	[smem:$0x3FB6] =	sst s9;
	s0 =	simm.s32 @!p0 $0x0  }
0x12: {  	s1 =	sld [smem:$0x3F9C];
	s0 =	simm.s32 @p0 $0x1  }
0x13: {  	[smem:$0x3FB7] =	sst s0;
	s0 =	simm.s32 @!p1 $0x0  }
0x14: {  	s2 =	sld [smem:$0x3F9B];
	s0 =	simm.s32 @p1 $0x1  }
0x15: {  	[smem:$0x3FB8] =	sst s0;
	s0 =	simm.s32 @!p2 $0x0  }
0x16: {  	s3 =	sld [smem:$0x3FDB];
	s0 =	simm.s32 @p2 $0x1  }
0x17: {  	s4 =	simm.s32 $0x1BF5;
	[smem:$0x3FBA] =	sst s0  }
0x18: {  	s0 =	sld [smem:$0x3F9D];
	_ =	swait.ge [sflag:s4], $0x0  }
0x19: {  	s7 =	sld [smem:$0x3F9E]  }
0x1a: {  	s8 =	sadd.s32 $0xFFFFE003, lr  }
0x1b: {  	s9 =	sadd.s32 $0xFFFFFEF7, lr;
	s5 =	simm.s32 $0xFFFFFFFF;
	p2 =	slt.u32 s8, $0xFFFFF086  }
0x1c: {  	p1 =	slt.u32 s9, $0xF7A;
	s5 =	simm.s32 @!p2 $0x0  }
0x1d: {  	s5 =	simm.s32 @p1 $0x1;
	p0 =	seq.s32 s7, s2  }
0x1e: {  	s7 =	smul.u32 @!p0 $0xF7A, s2;
	p2 =	seq.s32 @!p0 s5, $0x0  }
0x1f: {  	s9 =	smul.u32 $0xF7A, s1;
	s8 =	simm.s32 @!p0 $0x1BF5;
	p2 =	por !p2, p0  }
0x20: {  	[sflag:s8] =	ssyncset.s32 @!p0 $0xFFFFF086;
	s6 =	sadd.s32 @!p0 s3, s7;
	s7 =	simm.s32 @!p0 $0x108  }
0x21: {  	s3 =	sadd.s32 s3, s9;
	s6 =	sadd.s32 @!p0 $0x88, s6;
	s7 =	simm.s32 @p2 $0x1082  }
0x22: {  	[simem:s7], [sflag:s8] =	dma.local @!p0 [hbm:s6], $0xF7A  }
0x23: {  	s9 =	sor.u32 $0xD0000000, s2;
	s6 =	simm.s32 $0x108;
	_ =	swait.ge @!p0 [sflag:s8], $0x0  }
0x24: {  	s3 =	sadd.s32 $0x88, s3;
	s6 =	simm.s32 @!p1 $0x1082;
	[sflag:s4] =	ssyncset.s32 $0xFFFFF086  }
0x25: {  	[simem:s6], [sflag:s4] =	dma.local [hbm:s3], $0xF7A  }
0x26: {  	[smem:$0x3F9E] =	sst s1;
	(tag) =	ssettag s2;
	_ =	strace s9  }
0x27: {  	s1 =	sld [smem:$0x3FAE]  }
0x28: {  	s2 =	sld [smem:$0x3FAF]  }
0x29: {  	s4 =	sld [smem:$0x3FB1]  }
0x2a: {  	p0 =	seq.s32 s5, $0x0;
	s5 =	sld [smem:$0x3FB2]  }
0x2b: {  	s6 =	sld [smem:$0x3FB3]  }
0x2c: {  	s7 =	sld [smem:$0x3FB4]  }
0x2d: {  	s3 =	simm.s32 $0x108;
	s8 =	sld [smem:$0x3FB5]  }
0x2e: {  	s3 =	simm.s32 @!p0 $0x1082;
	s9 =	sld [smem:$0x3FB6]  }
0x2f: {  	lr =	sadd.s32 s0, s3;
	s0 =	sld [smem:$0x3FAD]  }
0x30: {  	s3 =	sld [smem:$0x3FB0]  }
0x31: {  	[smem:$0x3FB9] =	sst s10  }
0x32: {  	s10 =	sld [smem:$0x3FB7];
	_ =	sdelay $0x3  }
0x33: {  	p0 =	seq.s32 s10, $0x1;
	s10 =	sld [smem:$0x3FB9];
	_ =	sdelay $0x3  }
0x34: {  	[smem:$0x3FB9] =	sst s10  }
0x35: {  	s10 =	sld [smem:$0x3FB8];
	_ =	sdelay $0x3  }
0x36: {  	p1 =	seq.s32 s10, $0x1;
	s10 =	sld [smem:$0x3FB9];
	_ =	sdelay $0x3  }
0x37: {  	[smem:$0x3FB9] =	sst s10  }
0x38: {  	s10 =	sld [smem:$0x3FBA]  }
0x39: {  	_ = 	snop;
	(pc) =	sbr.ind lr, $3  }
0x3a: {  	_ = 	snop  }
0x3b: {  	_ = 	snop  }
0x3c: {  	p2 =	seq.s32 s10, $0x1;
	s10 =	sld [smem:$0x3FB9]  }
0x3d: {  	_ =	shalt  }
0x3e: {  	_ =	shalt  }
0x3f: {  	_ =	shalt  }
0x40: {  	_ =	shalt  }
0x41: {  	_ =	shalt  }
0x42: {  	_ =	shalt  }
0x43: {  	_ =	shalt  }
0x44: {  	_ =	shalt  }
0x45: {  	_ =	shalt  }
0x46: {  	_ =	shalt  }
0x47: {  	_ =	shalt  }
0x48: {  	_ =	shalt  }
0x49: {  	_ =	shalt  }
0x4a: {  	_ =	shalt  }
0x4b: {  	_ =	shalt  }
0x4c: {  	_ =	shalt  }
0x4d: {  	_ =	shalt  }
0x4e: {  	_ =	shalt  }
0x4f: {  	_ =	shalt  }
0x50: {  	_ =	shalt  }
0x51: {  	_ =	shalt  }
0x52: {  	_ =	shalt  }
0x53: {  	_ =	shalt  }
0x54: {  	_ =	shalt  }
0x55: {  	_ =	shalt  }
0x56: {  	_ =	shalt  }
0x57: {  	_ =	shalt  }
0x58: {  	_ =	shalt  }
0x59: {  	_ =	shalt  }
0x5a: {  	_ =	shalt  }
0x5b: {  	_ =	shalt  }
0x5c: {  	_ =	shalt  }
0x5d: {  	_ =	shalt  }
0x5e: {  	_ =	shalt  }
0x5f: {  	_ =	shalt  }
0x60: {  	_ =	shalt  }
0x61: {  	_ =	shalt  }
0x62: {  	_ =	shalt  }
0x63: {  	_ =	shalt  }
0x64: {  	_ =	shalt  }
0x65: {  	_ =	shalt  }
0x66: {  	_ =	shalt  }
0x67: {  	_ =	shalt  }
0x68: {  	_ =	shalt  }
0x69: {  	_ =	shalt  }
0x6a: {  	_ =	shalt  }
0x6b: {  	_ =	shalt  }
0x6c: {  	_ =	shalt  }
0x6d: {  	_ =	shalt  }
0x6e: {  	_ =	shalt  }
0x6f: {  	_ =	shalt  }
0x70: {  	_ =	shalt  }
0x71: {  	_ =	shalt  }
0x72: {  	_ =	shalt  }
0x73: {  	_ =	shalt  }
0x74: {  	_ =	shalt  }
0x75: {  	_ =	shalt  }
0x76: {  	_ =	shalt  }
0x77: {  	_ =	shalt  }
0x78: {  	_ =	shalt  }
0x79: {  	_ =	shalt  }
0x7a: {  	_ =	shalt  }
0x7b: {  	_ =	shalt  }
0x7c: {  	_ =	shalt  }
0x7d: {  	_ =	shalt  }
0x7e: {  	_ =	shalt  }
0x7f: {  	_ =	shalt  }
0x80: {  	_ =	shalt  }
0x81: {  	_ =	shalt  }
0x82: {  	_ =	shalt  }
0x83: {  	_ =	shalt  }
0x84: {  	_ =	shalt  }
0x85: {  	_ =	shalt  }
0x86: {  	_ =	shalt  }
0x87: {  	_ =	shalt  }
.Lfunc_end0:
.L_simem_size_0:
called_computation_lowered:
.L_overlay_start_0:
0x88: {  	s2 =	sld [smem:$0x3FD9]  }
0x89: {  	s3 =	sld [smem:$0x3FFE];
	_ =	sdelay $0x1  }
0x8a: {  	s1 =	srdreg.scid  }
0x8b: {  	s0 =	sand.u32 $0x1, s1  }
0x8c: {  	s15 =	sshll.u32 s0, $0xA;
	s2 =	sadd.s32 s3, s2  }
0x8d: {  	s2 =	sadd.s32 s2, s15  }
0x8e: {  	[smem:$0x3FC5] =	sst s2  }
0x8f: {  	_ = 	snop  }
0x90: {  	s2 =	sld [smem:$0x3FD0]  }
0x91: {  	s16 =	sld [smem:$0x3FC9]  }
0x92: {  	s4 =	sld [smem:$0x3FC8]  }
0x93: {  	s6 =	simm.s32 $0xA;
	s7 =	simm.s32 $0x10;
	s5 =	sld [smem:$0x3FC7]  }
0x94: {  	[smem:s7], [sflag:s6] =	dma.local [hbm:s2], $0x1  }
0x95: {  	_ =	swait.eq [sflag:s6], $0x1  }
0x96: {  	[sflag:s6] =	ssyncset.done $0x0  }
0x97: {  	s17 =	sld [smem:$0x10];
	[sflag:s6] =	ssyncadd.s32 $0xFFFFFFFF  }
0x98: {  	s18 =	sld [smem:$0x11];
	(tm) =	ssettm $0x1  }
0x99: {  	s19 =	sld [smem:$0x3FFB];
	_ =	sdelay $0x3  }
0x9a: {  	_ =	strace s19  }
0x9b: {  	s7 =	sld [smem:$0x3FFC];
	_ =	sdelay $0x3  }
0x9c: {  	_ =	strace s7  }
0x9d: {  	s7 =	sld [smem:$0x3FFD];
	_ =	sdelay $0x3  }
0x9e: {  	_ =	strace s7  }
0x9f: {  	_ =	strace $0x8FFFFFFF  }
0xa0: {  	s20 =	sld [smem:$0x3FDB];
	_ =	sdelay $0x1  }
0xa1: {  	s8 =	simm.s32 $_scs_section_size  }
0xa2: {  	s9 =	simm.s32 $_size__tile_overlayer_lowered;
	s10 =	simm.s32 $_tile_overlayer_lowered  }
0xa3: {  	s23 =	simm.s32 $0x1BFF;
	s22 =	sshll.u32 s10, $0x1;
	s7 =	sadd.s32 s8, s20  }
0xa4: {  	s11 =	simm.s32 $0x0;
	s21 =	sshll.u32 s9, $0x1;
	s9 =	sadd.s32 s22, s7  }
0xa5: {  	[timem:s11], [sflag:s23] =	dma.local [hbm:s9], s21  }
0xa6: {  	_ =	swait.ge [sflag:s23], s21  }
0xa7: {  	s8 =	ssub.s32 $0x0, s21;
	[sflag:s23] =	ssyncset.done $0x0  }
0xa8: {  	[sflag:s23] =	ssyncadd.s32 s8;
	_ =	sdelay $0x1  }
0xa9: {  	s24 =	simm.s32 $0x1B8B  }
0xaa: {  	_ =	swait.ge [sflag:s24], $0x1  }
0xab: {  	[sflag:s24] =	ssyncset.done $0x0  }
0xac: {  	s25 =	simm.s32 $0x1B8E;
	[sflag:s24] =	ssyncadd.s32 $0xFFFFFFFF  }
0xad: {  	s26 =	simm.s32 $execute0_lowered;
	[smem:$0x3FD2] =	sst s25  }
0xae: {  	s8 =	sshll.u32 s26, $0x1;
	_ =	strace $0x80000046;
	[dreg:$0x1] =	wrdreg $0xFFFFFFFF  }
0xaf: {  	s28 =	simm.s32 $_size_execute0_lowered;
	s7 =	sadd.s32 s7, s8;
	[dreg:$0x0] =	wrdreg $0x0  }
0xb0: {  	s8 =	sshll.u32 s28, $0x1;
	[dreg:$0x2] =	wrdreg s7  }
0xb1: {  	[dreg:$0x3] =	wrdreg s8  }
0xb2: {  	[dreg:$0x4] =	wrdreg $0xC0  }
0xb3: {  	_ =	task [dreg:s11], $0x5FFFF  }
0xb4: {  	[dreg:$0x1] =	wrdreg $0xFFFFFFFF  }
0xb5: {  	[dreg:$0x0] =	wrdreg $0x60  }
0xb6: {  	[dreg:$0x2] =	wrdreg s16  }
0xb7: {  	[dreg:$0x3] =	wrdreg s4  }
0xb8: {  	[dreg:$0x4] =	wrdreg s5  }
0xb9: {  	[dreg:$0x5] =	wrdreg s17  }
0xba: {  	[dreg:$0x6] =	wrdreg s18  }
0xbb: {  	[dreg:$0x7] =	wrdreg $0x9  }
0xbc: {  	_ =	task.clear_ibuf [dreg:s11], $0x8FFFF;
	_ =	strace $0x90000046  }
0xbd: {  	s29 =	simm.s32 $0x9;
	_ =	strace $0x80000048  }
0xbe: {  	_ =	swait.ge [sflag:s29], $0x1  }
0xbf: {  	[sflag:s29] =	ssyncadd.s32 $0xFFFFFFFF  }
0xc0: {  	_ =	strace $0x90000048  }
0xc1: {  	_ =	sfence  }
0xc2: {  	s30 =	sld [smem:$0x0];
	_ =	sdelay $0x2  }
0xc3: {  	s31 =	sshll.u32 s1, $0xD;
	s1 =	sshrl.u32 s1, $0x2  }
0xc4: {  	s3 =	sand.u32 $0x4000, s31;
	s1 =	sadd.s32 s1, s30  }
0xc5: {  	s0 =	sor.u32 s3, s0;
	s1 =	sshll.u32 s1, $0x11  }
0xc6: {  	s0 =	sor.u32 s1, s0  }
0xc7: {  	s0 =	sadd.s32 $0x8F2B, s0  }
0xc8: {  	[sflag:s0] =	ssyncadd.remote.s32 $0x1  }
0xc9: {  	_ =	sfence.sel $0xFFFF  }
0xca: {  	[dreg:$0x0] =	wrdreg $0xFFFFFFFF;
	(pc) =	sbr.abs _section_cstart, $3  }
0xcb: {  	[dreg:$0x1] =	wrdreg $0xFFFFFFFF  }
0xcc: {  	_ =	task.clear_ibuf [dreg:s11], $0x2FFFF;
	_ =	strace $0x9FFFFFFF  }
0xcd: {  	(tm) =	ssettm $0x7FFFFFFF  }
tec
execute0_lowered:
.L_overlay_start_1:
0x0: {  	(tag) =	ssettag $0x1  }
0x1: {  	s5 =	rddreg [dreg:$0x0]  }
0x2: {  	s2 =	rddreg [dreg:$0x1]  }
0x3: {  	s3 =	rddreg [dreg:$0x2]  }
0x4: {  	s12 =	rddreg [dreg:$0x3]  }
0x5: {  	s14 =	rddreg [dreg:$0x4];
	s1 =	stileid.u32  }
0x6: {  	s0 =	rddreg [dreg:$0x5];
	s4 =	srdreg.scid  }
0x7: {  	s8 =	simm.s32 $0x4;
	s6 =	sshll.u32 s1, $0x1;
	s17 =	sand.u32 $0x1, s4  }
0x8: {  	s13 =	sshrl.u32 s1, $0x2;
	s4 =	simm.s32 $0x0;
	s6 =	sand.u32 $0x6, s6  }
0x9: {  	s31 =	sshll.u32 s13, $0x4;
	[smem:$0x7FF] =	sst s4;
	s15 =	sor.u32 s17, s6  }
0xa: {  	s5 =	sadd.s32 s5, s31;
	_ =	strace $0x80000047;
	s7 =	sshll.u32 s15, $0x8  }
0xb: {  	s6 =	simm.s32 $0x80;
	s5 =	sadd.s32 s7, s5;
	s7 =	simm.s32 $0x200  }
0xc: {  	[tilespmem:s4], [sflag:$0x4] =	stream.strided.gather [hbm4b:s5+s6], $0x200, s7, s6, $0x38;
	[tilespmem:$0x1FE00] =	vst v63  }
0xd: {  	_ =	swait.ge [sflag:s8], $0x200  }
0xe: {  	[sflag:s8] =	ssyncset.done $0x0  }
0xf: {  	[sflag:s8] =	ssyncadd.s32 $0xFFFFFE00  }
0x10: {  	[tilespmem:s7], [sflag:$0x1] =	stream.indirect.gather [hbm4b:s2+s7], $0x80, s4, s7, $0xb8;
	[tilespmem:$0x1FE00] =	vst v63  }
0x11: {  	s9 =	simm.s32 $0x1F8;
	s10 =	simm.s32 $0x10200;
	s11 =	simm.s32 $0x1  }
0x12: {  	[tilespmem:s10], [sflag:$0x2] =	stream.indirect.gather [hbm4b:s3+s9], $0x80, s4, s9, $0xb8;
	[tilespmem:$0x1FE00] =	vst v63  }
0x13: {  	s13 =	sshll.u32 s13, $0x10;
	s15 =	sshll.u32 s15, $0xD;
	_ =	swait.ge [sflag:s11], $0x10000  }
0x14: {  	s15 =	sor.u32 s13, s15;
	[sflag:s11] =	ssyncset.done $0x0  }
0x15: {  	s13 =	simm.s32 $0x2;
	s12 =	sadd.s32 s12, s15;
	[sflag:s11] =	ssyncadd.s32 $0xFFFF0000  }
0x16: {  	[hbm4b:s12+s4] =	stream.linear.scatter [tilespmem:s7], [sflag:$0x3], $0x10000, $0x38;
	[tilespmem:$0x1FE00] =	vst v63  }
0x17: {  	_ =	swait.ge [sflag:s13], $0xFC00  }
0x18: {  	[sflag:s13] =	ssyncset.done $0x0  }
0x19: {  	s15 =	sadd.s32 s14, s15;
	s14 =	simm.s32 $0x3;
	[sflag:s13] =	ssyncadd.s32 $0xFFFF0400  }
0x1a: {  	[hbm4b:s15+s4] =	stream.linear.scatter [tilespmem:s10], [sflag:$0x3], $0xFC00, $0x38;
	[tilespmem:$0x1FE00] =	vst v63  }
0x1b: {  	_ =	swait.ge [sflag:s14], $0x10000  }
0x1c: {  	s18 =	ssub.s32 $0x2, s17;
	[sflag:s14] =	ssyncset.done $0x0  }
0x1d: {  	s16 =	simm.s32 $0x8;
	s19 =	sshrl.u32 s18, $0x1;
	[sflag:s14] =	ssyncadd.s32 $0xFFFF0000  }
0x1e: {  	[tilespmem:s7], [sflag:$0x2] =	stream.indirect.gather [hbm4b:s3+s16], $0x80, s9, s16, $0xb8;
	[tilespmem:$0x1FE00] =	vst v63  }
0x1f: {  	s18 =	ssub.s32 s18, s19;
	_ =	swait.ge [sflag:s13], $0x400  }
0x20: {  	s18 =	smax.u32 s18, $0x1;
	[sflag:s13] =	ssyncset.done $0x0  }
0x21: {  	p0 =	sne.s32 s18, $0x1;
	s17 =	sadd.s32 $0x1F80, s15;
	[sflag:s13] =	ssyncadd.s32 $0xFFFFFC00  }
0x22: {  	[hbm4b:s17+s4] =	stream.linear.scatter [tilespmem:s7], [sflag:$0x3], $0x400, $0x38;
	[tilespmem:$0x1FE00] =	vst v63  }
.Ltmp0:
0x23: {  	_ =	swait.ge [sflag:s14], $0xFC00;
	(pc) =	sbr.rel @!p0 .LBB2_2-.Ltmp0, $4  }
0x24: {  	[sflag:s14] =	ssyncset.done $0x0  }
0x25: {  	[sflag:s14] =	ssyncadd.s32 $0xFFFF0400  }
0x26: {  	_ =	swait.ge [sflag:s14], $0x400  }
0x27: {  	s18 =	sadd.s32 $0xFFFFFFFF, s18;
	[sflag:s14] =	ssyncset.done $0x0  }
.LBB2_1:
0x28: {  	p0 =	sne.s32 s18, $0x1;
	s18 =	sadd.s32 $0xFFFFFFFF, s18;
	[sflag:s14] =	ssyncadd.s32 $0xFFFFFC00  }
0x29: {  	[tilespmem:s4], [sflag:$0x4] =	stream.strided.gather [hbm4b:s5+s6], $0x200, s7, s6, $0x38;
	[tilespmem:$0x1FE00] =	vst v63  }
0x2a: {  	_ =	swait.ge [sflag:s8], $0x200  }
0x2b: {  	[sflag:s8] =	ssyncset.done $0x0  }
0x2c: {  	[sflag:s8] =	ssyncadd.s32 $0xFFFFFE00  }
0x2d: {  	[tilespmem:s7], [sflag:$0x1] =	stream.indirect.gather [hbm4b:s2+s7], $0x80, s4, s7, $0xb8;
	[tilespmem:$0x1FE00] =	vst v63  }
0x2e: {  	_ = 	snop  }
0x2f: {  	[tilespmem:s10], [sflag:$0x2] =	stream.indirect.gather [hbm4b:s3+s9], $0x80, s4, s9, $0xb8;
	[tilespmem:$0x1FE00] =	vst v63  }
0x30: {  	_ =	swait.ge [sflag:s11], $0x10000  }
0x31: {  	[sflag:s11] =	ssyncset.done $0x0  }
0x32: {  	[sflag:s11] =	ssyncadd.s32 $0xFFFF0000  }
0x33: {  	[hbm4b:s12+s4] =	stream.linear.scatter [tilespmem:s7], [sflag:$0x3], $0x10000, $0x38;
	[tilespmem:$0x1FE00] =	vst v63  }
0x34: {  	_ =	swait.ge [sflag:s13], $0xFC00  }
0x35: {  	[sflag:s13] =	ssyncset.done $0x0  }
0x36: {  	[sflag:s13] =	ssyncadd.s32 $0xFFFF0400  }
0x37: {  	[hbm4b:s15+s4] =	stream.linear.scatter [tilespmem:s10], [sflag:$0x3], $0xFC00, $0x38;
	[tilespmem:$0x1FE00] =	vst v63  }
0x38: {  	_ =	swait.ge [sflag:s14], $0x10000  }
0x39: {  	[sflag:s14] =	ssyncset.done $0x0  }
0x3a: {  	[sflag:s14] =	ssyncadd.s32 $0xFFFF0000  }
0x3b: {  	[tilespmem:s7], [sflag:$0x2] =	stream.indirect.gather [hbm4b:s3+s16], $0x80, s9, s16, $0xb8;
	[tilespmem:$0x1FE00] =	vst v63  }
0x3c: {  	_ =	swait.ge [sflag:s13], $0x400  }
0x3d: {  	[sflag:s13] =	ssyncset.done $0x0  }
0x3e: {  	[sflag:s13] =	ssyncadd.s32 $0xFFFFFC00  }
0x3f: {  	[hbm4b:s17+s4] =	stream.linear.scatter [tilespmem:s7], [sflag:$0x3], $0x400, $0x38;
	[tilespmem:$0x1FE00] =	vst v63  }
.Ltmp1:
0x40: {  	_ =	swait.ge [sflag:s14], $0xFC00;
	(pc) =	sbr.rel @p0 .LBB2_1-.Ltmp1, $4  }
0x41: {  	[sflag:s14] =	ssyncset.done $0x0  }
0x42: {  	[sflag:s14] =	ssyncadd.s32 $0xFFFF0400  }
0x43: {  	_ =	swait.ge [sflag:s14], $0x400  }
0x44: {  	[sflag:s14] =	ssyncset.done $0x0  }
.LBB2_2:
0x45: {  	[sflag:s14] =	ssyncadd.s32 $0xFFFFFC00  }
0x46: {  	_ =	sfence.sel $0x180000  }
0x47: {  	[bflag:$0x0] =	sbarrier.arrive $0xFFFF  }
0x48: {  	p0 =	sne.s32 s1, $0x0;
	_ =	strace $0x90000047  }
0x49: {  	s0 =	sadd.s32 @!p0 $0x100000, s0;
	[bflag:$0x2] =	sbarrier.arrive $0xFFFF  }
0x4a: {  	[sflag:s0] =	ssyncadd.tile.s32 @!p0 $0x1;
	_ =	shalt  }
.Lfunc_end2:
_tile_overlayer_lowered:
.L_overlay_start_2:
0x4b: {  	(tag) =	ssettag $0x2  }
0x4c: {  	s0 =	rddreg [dreg:$0x0];
	s2 =	stileid.u32  }
0x4d: {  	s1 =	rddreg [dreg:$0x1];
	p0 =	sne.s32 s2, $0x0  }
0x4e: {  	s3 =	rddreg [dreg:$0x2];
	[bflag:$0x3] =	sbarrier.arrive $0xFFFF;
	s2 =	simm.s32 @!p0 $0x1C04  }
0x4f: {  	[timem:s3], [sflag:s2] =	dma.local @!p0 [hbm:s0], s1  }
0x50: {  	s0 =	simm.s32 @!p0 $0x4  }
0x51: {  	_ =	swait.ge @!p0 [sflag:s0], s1  }
0x52: {  	s1 =	ssub.s32 @!p0 $0x0, s1;
	[sflag:s0] =	ssyncset.done @!p0 $0x0  }
0x53: {  	[sflag:s0] =	ssyncadd.s32 @!p0 s1  }
0x54: {  	[bflag:$0x3] =	sbarrier.arrive $0xFFFF  }
0x55: {  	_ =	shalt  }

</sc_bundles>
